<compile_context>
chip_gen: v7x
topology: tpu7x:2x2x1
jax: 0.10.2.dev20260603
libtpu: 0.0.44.dev20260713+nightly
codegen_flags: <defaults>
</compile_context>

<pallas_src>
import functools

import jax
import jax.numpy as jnp
from jax import lax
from jax.experimental import pallas as pl
from jax.experimental.pallas import tpu as pltpu
from jax.experimental.pallas import tpu_sc as plsc

N = 10000
F = 128
NP = 10112
NC, NS = 2, 16
NW = NC * NS
CHUNK = 128
CPT = 79
EPT = CPT * CHUNK
ROWS_PT = NP // NS


def _sc_body(node_hbm, src_hbm, dst_hbm, agg_out, deg_out,
             src_v, dst_v, rows_v, deg_local, agg_sh, sem):
    c = lax.axis_index("c")
    s = lax.axis_index("s")

    pltpu.sync_copy(src_hbm.at[c, s], src_v)
    pltpu.sync_copy(dst_hbm.at[c, s], dst_v)

    z16 = jnp.zeros((16,), jnp.float32)

    def _zero_rows(i, carry):
        rows_v[i // 8, pl.ds((i % 8) * 16, 16)] = z16
        return carry
    lax.fori_loop(0, 128 * 8, _zero_rows, 0)

    def _zero_deg(i, carry):
        deg_local[pl.ds(i * 16, 16)] = z16
        return carry
    lax.fori_loop(0, NP // 16, _zero_deg, 0)

    base = s * ROWS_PT
    for k in range(4):
        pltpu.sync_copy(rows_v, agg_sh.at[pl.ds(base + k * 128, 128)])
    pltpu.sync_copy(rows_v.at[pl.ds(0, ROWS_PT - 512)],
                    agg_sh.at[pl.ds(base + 512, ROWS_PT - 512)])
    plsc.subcore_barrier()

    ones16 = jnp.ones((16,), jnp.float32)

    def _chunk(j, carry):
        pltpu.async_copy(node_hbm.at[src_v.at[j]], rows_v, sem).wait()
        pltpu.sync_copy(rows_v, agg_sh.at[dst_v.at[j]], add=True)

        def _hist(k, inner):
            d16 = dst_v[j, pl.ds(k * 16, 16)]
            plsc.addupdate_scatter(deg_local, [d16], ones16)
            return inner
        lax.fori_loop(0, CHUNK // 16, _hist, 0)
        return carry
    lax.fori_loop(0, CPT, _chunk, 0)

    plsc.subcore_barrier()
    pltpu.sync_copy(agg_sh.at[pl.ds(base, ROWS_PT)],
                    agg_out.at[c, pl.ds(base, ROWS_PT)])
    pltpu.sync_copy(deg_local, deg_out.at[c * NS + s])


_sc_agg = functools.partial(
    pl.kernel,
    out_type=(
        jax.ShapeDtypeStruct((NC, NP, F), jnp.float32),
        jax.ShapeDtypeStruct((NW, NP), jnp.float32),
    ),
    mesh=plsc.VectorSubcoreMesh(core_axis_name="c", subcore_axis_name="s"),
    compiler_params=pltpu.CompilerParams(needs_layout_passes=False),
    scratch_types=[
        pltpu.VMEM((CPT, CHUNK), jnp.int32),
        pltpu.VMEM((CPT, CHUNK), jnp.int32),
        pltpu.VMEM((CHUNK, F), jnp.float32),
        pltpu.VMEM((NP,), jnp.float32),
        pltpu.VMEM_SHARED((NP, F), jnp.float32),
        pltpu.SemaphoreType.DMA,
    ],
)(_sc_body)


def _tc_body(node_ref, agg0_ref, agg1_ref, degp_ref,
             ws_ref, wn_ref, bs_ref, wd_ref, bd_ref, z_ref, rec_ref):
    deg = jnp.sum(degp_ref[...], axis=1)
    agg = agg0_ref[0] + agg1_ref[0]
    hn = jnp.where(deg[:, None] > 0.0,
                   agg / jnp.maximum(deg, 1.0)[:, None], 0.0)
    h = (jnp.dot(node_ref[...], ws_ref[...], preferred_element_type=jnp.float32)
         + jnp.dot(hn, wn_ref[...], preferred_element_type=jnp.float32)
         + bs_ref[...])
    z = jnp.maximum(h, 0.0)
    z_ref[...] = z
    rec_ref[...] = (jnp.dot(z, wd_ref[...], preferred_element_type=jnp.float32)
                    + bd_ref[...])


NB = 1000


def _tc_call(node_feats, agg_p, deg_p, W_self, W_neigh, b_sage, W_dec, b_dec):
    grid = N // NB
    row_spec = pl.BlockSpec((NB, F), lambda i: (i, 0))
    full_spec = pl.BlockSpec((F, F), lambda i: (0, 0))
    bias_spec = pl.BlockSpec((1, F), lambda i: (0, 0))
    return pl.pallas_call(
        _tc_body,
        grid=(grid,),
        in_specs=[
            row_spec,
            pl.BlockSpec((1, NB, F), lambda i: (0, i, 0)),
            pl.BlockSpec((1, NB, F), lambda i: (1, i, 0)),
            pl.BlockSpec((NB, NW), lambda i: (i, 0)),
            full_spec, full_spec, bias_spec, full_spec, bias_spec,
        ],
        out_specs=[row_spec, row_spec],
        out_shape=[
            jax.ShapeDtypeStruct((N, F), jnp.float32),
            jax.ShapeDtypeStruct((N, F), jnp.float32),
        ],
    )(node_feats, agg_p, agg_p, deg_p,
      W_self, W_neigh, b_sage.reshape(1, F), W_dec, b_dec.reshape(1, F))


def kernel(node_feats, edge_index, W_self, W_neigh, b_sage, W_dec, b_dec):
    src = edge_index[0]
    dst = edge_index[1]
    e = src.shape[0]
    pad = NW * EPT - e
    src_p = jnp.concatenate(
        [src, jnp.zeros((pad,), jnp.int32)]).reshape(NC, NS, CPT, CHUNK)
    trash = N + jnp.arange(pad, dtype=jnp.int32) % (NP - N)
    dst_p = jnp.concatenate([dst, trash]).reshape(NC, NS, CPT, CHUNK)
    agg_p, deg_p = _sc_agg(node_feats, src_p, dst_p)
    z, recon = _tc_call(node_feats, agg_p, deg_p[:, :N].T,
                        W_self, W_neigh, b_sage, W_dec, b_dec)
    return (z, recon)

# --- scband reference (transcript-rebuilt; emitter-appended) ---
"""Pipeline reference for scband-gaeteacher-85134841742017 (READ-ONLY COPY).

The authoritative reference and input builder live on the scoring server;
editing this copy changes nothing except your own understanding.
"""

import jax, jax.numpy as jnp
import numpy as np

N_NODES = 10000
N_EDGES = 320000
IN_FEATS = 128
HIDDEN_FEATS = 128


def setup_inputs(seed: int = 0) -> dict:
    key = jax.random.key(seed)
    ks = jax.random.split(key, 8)
    node_feats = jax.random.normal(ks[0], (N_NODES, IN_FEATS), dtype=jnp.float32)
    edge_index = jax.random.randint(ks[1], (2, N_EDGES), 0, N_NODES, dtype=jnp.int32)
    # SAGEConv (mean aggregator) params: fc_self, fc_neigh (no bias), shared bias
    W_self = jax.random.normal(ks[2], (IN_FEATS, HIDDEN_FEATS), dtype=jnp.float32) * (1.0 / np.sqrt(IN_FEATS))
    W_neigh = jax.random.normal(ks[3], (IN_FEATS, HIDDEN_FEATS), dtype=jnp.float32) * (1.0 / np.sqrt(IN_FEATS))
    b_sage = jnp.zeros((HIDDEN_FEATS,), dtype=jnp.float32)
    # decoder Linear(hidden_feats, in_feats)
    W_dec = jax.random.normal(ks[4], (HIDDEN_FEATS, IN_FEATS), dtype=jnp.float32) * (1.0 / np.sqrt(HIDDEN_FEATS))
    b_dec = jnp.zeros((IN_FEATS,), dtype=jnp.float32)
    return {
        "node_feats": node_feats,
        "edge_index": edge_index,
        "W_self": W_self,
        "W_neigh": W_neigh,
        "b_sage": b_sage,
        "W_dec": W_dec,
        "b_dec": b_dec,
    }


def reference(node_feats, edge_index, W_self, W_neigh, b_sage, W_dec, b_dec):
    src = edge_index[0]
    dst = edge_index[1]
    n = node_feats.shape[0]
    # mean aggregation of neighbor (src) features onto dst nodes
    msg = jnp.take(node_feats, src, axis=0)
    agg = jax.ops.segment_sum(msg, dst, num_segments=n)
    deg = jax.ops.segment_sum(jnp.ones((src.shape[0],), dtype=node_feats.dtype), dst, num_segments=n)
    h_neigh = agg / jnp.maximum(deg, 1.0)[:, None]
    h_neigh = jnp.where(deg[:, None] > 0, h_neigh, 0.0)
    # SAGEConv: fc_self(h) + fc_neigh(h_neigh) + bias
    h = node_feats @ W_self + h_neigh @ W_neigh + b_sage
    z = jax.nn.relu(h)
    recon = z @ W_dec + b_dec
    return (z, recon)

if __name__ == "__main__":
    import jax
    _d = setup_inputs()
    print(jax.jit(kernel)(*tuple(_d.values())))

</pallas_src>

<mosaic_0001>
#map = affine_map<(d0, d1) -> (0, 0)>
#map1 = affine_map<(d0, d1) -> (0, 0, 0, 0)>
#map2 = affine_map<(d0, d1) -> (0, 0, 0)>
module attributes {stable_mosaic.version = 14 : i64} {
  func.func @_sc_body(%arg0: i32, %arg1: i32, %arg2: memref<10000x128xf32, #tpu.memory_space<hbm>>, %arg3: memref<2x16x79x128xi32, #tpu.memory_space<hbm>>, %arg4: memref<2x16x79x128xi32, #tpu.memory_space<hbm>>, %arg5: memref<2x10112x128xf32, #tpu.memory_space<hbm>>, %arg6: memref<32x10112xf32, #tpu.memory_space<hbm>>, %arg7: memref<79x128xi32, #tpu.memory_space<vmem>>, %arg8: memref<79x128xi32, #tpu.memory_space<vmem>>, %arg9: memref<128x128xf32, #tpu.memory_space<vmem>>, %arg10: memref<10112xf32, #tpu.memory_space<vmem>>, %arg11: memref<10112x128xf32, #tpu.memory_space<vmem_shared>>, %arg12: memref<!tpu.dma_semaphore, #tpu.memory_space<semaphore_mem>>) attributes {dimension_semantics = [#tpu.dimension_semantics<core_parallel>, #tpu.dimension_semantics<subcore_parallel>], iteration_bounds = array<i64: 2, 16>, scalar_prefetch = 0 : i64, scratch_operands = 6 : i64, tpu.core_type = #tpu.core_type<sc_vector_subcore>, window_params = [{transform_indices = #map}, {transform_indices = #map1}, {transform_indices = #map1}, {transform_indices = #map2}, {transform_indices = #map}]} {
    "tpu.region"() ({
      %run_scoped3A = tpu.sem_alloc : memref<!tpu.dma_semaphore, #tpu.memory_space<semaphore_mem>>
      %dma_start3A = arith.constant 0 : i32
      %dma_start3A_34 = arith.constant 0 : i32
      %dma_start3A_35 = tpu.memref_slice %arg3[%arg0, %arg1, %dma_start3A, %dma_start3A_34] : memref<2x16x79x128xi32, #tpu.memory_space<hbm>> -> memref<1x1x79x128xi32, #tpu.memory_space<hbm>>
      %dma_start3A_36 = tpu.memref_squeeze %dma_start3A_35 : memref<1x1x79x128xi32, #tpu.memory_space<hbm>> -> memref<79x128xi32, #tpu.memory_space<hbm>>
      %dma_start3A_37 = arith.constant 0 : i32
      %dma_start3A_38 = arith.constant 0 : i32
      %dma_start3A_39 = tpu.memref_slice %arg3[%arg0, %arg1, %dma_start3A_37, %dma_start3A_38] : memref<2x16x79x128xi32, #tpu.memory_space<hbm>> -> memref<1x1x79x128xi32, #tpu.memory_space<hbm>>
      %dma_start3A_40 = tpu.memref_squeeze %dma_start3A_39 : memref<1x1x79x128xi32, #tpu.memory_space<hbm>> -> memref<79x128xi32, #tpu.memory_space<hbm>>
      tpu.enqueue_dma source(%dma_start3A_40 : memref<79x128xi32, #tpu.memory_space<hbm>>) target(%arg7 : memref<79x128xi32, #tpu.memory_space<vmem>>) target_semaphore(%run_scoped3A : memref<!tpu.dma_semaphore, #tpu.memory_space<semaphore_mem>>)
      %dma_wait3A = arith.constant 0 : i32
      %dma_wait3A_41 = arith.constant 0 : i32
      %dma_wait3A_42 = tpu.memref_slice %arg3[%arg0, %arg1, %dma_wait3A, %dma_wait3A_41] : memref<2x16x79x128xi32, #tpu.memory_space<hbm>> -> memref<1x1x79x128xi32, #tpu.memory_space<hbm>>
      %dma_wait3A_43 = tpu.memref_squeeze %dma_wait3A_42 : memref<1x1x79x128xi32, #tpu.memory_space<hbm>> -> memref<79x128xi32, #tpu.memory_space<hbm>>
      %dma_wait3A_44 = arith.constant 0 : i32
      %dma_wait3A_45 = arith.constant 0 : i32
      %dma_wait3A_46 = tpu.memref_slice %arg3[%arg0, %arg1, %dma_wait3A_44, %dma_wait3A_45] : memref<2x16x79x128xi32, #tpu.memory_space<hbm>> -> memref<1x1x79x128xi32, #tpu.memory_space<hbm>>
      %dma_wait3A_47 = tpu.memref_squeeze %dma_wait3A_46 : memref<1x1x79x128xi32, #tpu.memory_space<hbm>> -> memref<79x128xi32, #tpu.memory_space<hbm>>
      tpu.wait_dma2 semaphore(%run_scoped3A : memref<!tpu.dma_semaphore, #tpu.memory_space<semaphore_mem>>) src(%dma_wait3A_47 : memref<79x128xi32, #tpu.memory_space<hbm>>) dst(%arg7 : memref<79x128xi32, #tpu.memory_space<vmem>>)
      tpu.yield
    }) : () -> ()
    "tpu.region"() ({
      %run_scoped3A = tpu.sem_alloc : memref<!tpu.dma_semaphore, #tpu.memory_space<semaphore_mem>>
      %dma_start3A = arith.constant 0 : i32
      %dma_start3A_34 = arith.constant 0 : i32
      %dma_start3A_35 = tpu.memref_slice %arg4[%arg0, %arg1, %dma_start3A, %dma_start3A_34] : memref<2x16x79x128xi32, #tpu.memory_space<hbm>> -> memref<1x1x79x128xi32, #tpu.memory_space<hbm>>
      %dma_start3A_36 = tpu.memref_squeeze %dma_start3A_35 : memref<1x1x79x128xi32, #tpu.memory_space<hbm>> -> memref<79x128xi32, #tpu.memory_space<hbm>>
      %dma_start3A_37 = arith.constant 0 : i32
      %dma_start3A_38 = arith.constant 0 : i32
      %dma_start3A_39 = tpu.memref_slice %arg4[%arg0, %arg1, %dma_start3A_37, %dma_start3A_38] : memref<2x16x79x128xi32, #tpu.memory_space<hbm>> -> memref<1x1x79x128xi32, #tpu.memory_space<hbm>>
      %dma_start3A_40 = tpu.memref_squeeze %dma_start3A_39 : memref<1x1x79x128xi32, #tpu.memory_space<hbm>> -> memref<79x128xi32, #tpu.memory_space<hbm>>
      tpu.enqueue_dma source(%dma_start3A_40 : memref<79x128xi32, #tpu.memory_space<hbm>>) target(%arg8 : memref<79x128xi32, #tpu.memory_space<vmem>>) target_semaphore(%run_scoped3A : memref<!tpu.dma_semaphore, #tpu.memory_space<semaphore_mem>>)
      %dma_wait3A = arith.constant 0 : i32
      %dma_wait3A_41 = arith.constant 0 : i32
      %dma_wait3A_42 = tpu.memref_slice %arg4[%arg0, %arg1, %dma_wait3A, %dma_wait3A_41] : memref<2x16x79x128xi32, #tpu.memory_space<hbm>> -> memref<1x1x79x128xi32, #tpu.memory_space<hbm>>
      %dma_wait3A_43 = tpu.memref_squeeze %dma_wait3A_42 : memref<1x1x79x128xi32, #tpu.memory_space<hbm>> -> memref<79x128xi32, #tpu.memory_space<hbm>>
      %dma_wait3A_44 = arith.constant 0 : i32
      %dma_wait3A_45 = arith.constant 0 : i32
      %dma_wait3A_46 = tpu.memref_slice %arg4[%arg0, %arg1, %dma_wait3A_44, %dma_wait3A_45] : memref<2x16x79x128xi32, #tpu.memory_space<hbm>> -> memref<1x1x79x128xi32, #tpu.memory_space<hbm>>
      %dma_wait3A_47 = tpu.memref_squeeze %dma_wait3A_46 : memref<1x1x79x128xi32, #tpu.memory_space<hbm>> -> memref<79x128xi32, #tpu.memory_space<hbm>>
      tpu.wait_dma2 semaphore(%run_scoped3A : memref<!tpu.dma_semaphore, #tpu.memory_space<semaphore_mem>>) src(%dma_wait3A_47 : memref<79x128xi32, #tpu.memory_space<hbm>>) dst(%arg8 : memref<79x128xi32, #tpu.memory_space<vmem>>)
      tpu.yield
    }) : () -> ()
    %broadcast_in_dim3A = arith.constant 0.000000e+00 : f32
    %broadcast_in_dim3A_0 = vector.broadcast %broadcast_in_dim3A : f32 to vector<16xf32>
    %scan3A = arith.constant 0 : i32
    %scan3A_1 = arith.constant 0 : i32
    %scan3A_2 = arith.constant 1024 : i32
    %scan3A_3 = arith.addi %scan3A_1, %scan3A_2 : i32
    %scan3A_4 = arith.constant 1 : i32
    scf.for %scan3A_34 = %scan3A_1 to %scan3A_3 step %scan3A_4  : i32 {
      %jit3A = arith.constant 8 : i32
      %div3A = arith.divsi %scan3A_34, %jit3A : i32
      %sign3A = arith.constant 0 : i32
      %sign3A_35 = arith.cmpi sgt, %scan3A_34, %sign3A : i32
      %sign3A_36 = arith.extui %sign3A_35 : i1 to i32
      %sign3A_37 = arith.constant 0 : i32
      %sign3A_38 = arith.cmpi slt, %scan3A_34, %sign3A_37 : i32
      %sign3A_39 = arith.extui %sign3A_38 : i1 to i32
      %sign3A_40 = arith.subi %sign3A_36, %sign3A_39 : i32
      %sign3A_41 = arith.constant 0 : i32
      %sign3A_42 = arith.cmpi sgt, %jit3A, %sign3A_41 : i32
      %sign3A_43 = arith.extui %sign3A_42 : i1 to i32
      %sign3A_44 = arith.constant 0 : i32
      %sign3A_45 = arith.cmpi slt, %jit3A, %sign3A_44 : i32
      %sign3A_46 = arith.extui %sign3A_45 : i1 to i32
      %sign3A_47 = arith.subi %sign3A_43, %sign3A_46 : i32
      %ne3A = arith.cmpi ne, %sign3A_40, %sign3A_47 : i32
      %rem3A = arith.remsi %scan3A_34, %jit3A : i32
      %ne3A_48 = arith.constant 0 : i32
      %ne3A_49 = arith.cmpi ne, %rem3A, %ne3A_48 : i32
      %and3A = arith.andi %ne3A, %ne3A_49 : i1
      %sub3A = arith.constant 1 : i32
      %sub3A_50 = arith.subi %div3A, %sub3A : i32
      %select_n3A = arith.select %and3A, %sub3A_50, %div3A : i32
      %jit3A_51 = arith.constant 8 : i32
      %eq3A = arith.constant 0 : i32
      %eq3A_52 = arith.cmpi eq, %jit3A_51, %eq3A : i32
      %jit3A_53 = arith.constant 1 : i32
      %select_n3A_54 = arith.select %eq3A_52, %jit3A_53, %jit3A_51 : i32
      %rem3A_55 = arith.remsi %scan3A_34, %select_n3A_54 : i32
      %ne3A_56 = arith.constant 0 : i32
      %ne3A_57 = arith.cmpi ne, %rem3A_55, %ne3A_56 : i32
      %lt3A = arith.constant 0 : i32
      %lt3A_58 = arith.cmpi slt, %rem3A_55, %lt3A : i32
      %lt3A_59 = arith.constant 0 : i32
      %lt3A_60 = arith.cmpi slt, %select_n3A_54, %lt3A_59 : i32
      %ne3A_61 = arith.xori %lt3A_58, %lt3A_60 : i1
      %and3A_62 = arith.andi %ne3A_61, %ne3A_57 : i1
      %add3A_63 = arith.addi %rem3A_55, %select_n3A_54 : i32
      %select_n3A_64 = arith.select %and3A_62, %add3A_63, %rem3A_55 : i32
      %mul3A_65 = arith.constant 16 : i32
      %mul3A_66 = arith.muli %select_n3A_64, %mul3A_65 : i32
      %swap3A = arith.index_cast %select_n3A : i32 to index
      %swap3A_67 = arith.index_cast %mul3A_66 : i32 to index
      %swap3A_68 = tpu.vector_load %arg9[%swap3A, %swap3A_67] {strides = array<i32>} : memref<128x128xf32, #tpu.memory_space<vmem>>, vector<16xf32>,
      tpu.vector_store %arg9[%swap3A, %swap3A_67], %broadcast_in_dim3A_0 {strides = array<i32>} : memref<128x128xf32, #tpu.memory_space<vmem>>, vector<16xf32>,
    }
    %scan3A_5 = arith.constant 1024 : i32
    %scan3A_6 = arith.constant 0 : i32
    %scan3A_7 = arith.constant 0 : i32
    %scan3A_8 = arith.constant 632 : i32
    %scan3A_9 = arith.addi %scan3A_7, %scan3A_8 : i32
    %scan3A_10 = arith.constant 1 : i32
    scf.for %scan3A_34 = %scan3A_7 to %scan3A_9 step %scan3A_10  : i32 {
      %mul3A_35 = arith.constant 16 : i32
      %mul3A_36 = arith.muli %scan3A_34, %mul3A_35 : i32
      %swap3A = arith.index_cast %mul3A_36 : i32 to index
      %swap3A_37 = tpu.vector_load %arg10[%swap3A] {strides = array<i32>} : memref<10112xf32, #tpu.memory_space<vmem>>, vector<16xf32>,
      tpu.vector_store %arg10[%swap3A], %broadcast_in_dim3A_0 {strides = array<i32>} : memref<10112xf32, #tpu.memory_space<vmem>>, vector<16xf32>,
    }
    %scan3A_11 = arith.constant 632 : i32
    %mul3A = arith.constant 632 : i32
    %mul3A_12 = arith.muli %arg1, %mul3A : i32
    %add3A = arith.constant 0 : i32
    %add3A_13 = arith.addi %mul3A_12, %add3A : i32
    "tpu.region"() ({
      %run_scoped3A = tpu.sem_alloc : memref<!tpu.dma_semaphore, #tpu.memory_space<semaphore_mem>>
      %dma_start3A = arith.constant 0 : i32
      %dma_start3A_34 = tpu.memref_slice %arg11[%add3A_13, %dma_start3A] : memref<10112x128xf32, #tpu.memory_space<vmem_shared>> -> memref<128x128xf32, #tpu.memory_space<vmem_shared>>
      %dma_start3A_35 = arith.constant 0 : i32
      %dma_start3A_36 = tpu.memref_slice %arg11[%add3A_13, %dma_start3A_35] : memref<10112x128xf32, #tpu.memory_space<vmem_shared>> -> memref<128x128xf32, #tpu.memory_space<vmem_shared>>
      tpu.enqueue_dma source(%arg9 : memref<128x128xf32, #tpu.memory_space<vmem>>) target(%dma_start3A_36 : memref<128x128xf32, #tpu.memory_space<vmem_shared>>) target_semaphore(%run_scoped3A : memref<!tpu.dma_semaphore, #tpu.memory_space<semaphore_mem>>)
      %dma_wait3A = arith.constant 0 : i32
      %dma_wait3A_37 = tpu.memref_slice %arg11[%add3A_13, %dma_wait3A] : memref<10112x128xf32, #tpu.memory_space<vmem_shared>> -> memref<128x128xf32, #tpu.memory_space<vmem_shared>>
      %dma_wait3A_38 = arith.constant 0 : i32
      %dma_wait3A_39 = tpu.memref_slice %arg11[%add3A_13, %dma_wait3A_38] : memref<10112x128xf32, #tpu.memory_space<vmem_shared>> -> memref<128x128xf32, #tpu.memory_space<vmem_shared>>
      tpu.wait_dma2 semaphore(%run_scoped3A : memref<!tpu.dma_semaphore, #tpu.memory_space<semaphore_mem>>) src(%arg9 : memref<128x128xf32, #tpu.memory_space<vmem>>) dst(%dma_wait3A_39 : memref<128x128xf32, #tpu.memory_space<vmem_shared>>)
      tpu.yield
    }) : () -> ()
    %add3A_14 = arith.constant 128 : i32
    %add3A_15 = arith.addi %mul3A_12, %add3A_14 : i32
    "tpu.region"() ({
      %run_scoped3A = tpu.sem_alloc : memref<!tpu.dma_semaphore, #tpu.memory_space<semaphore_mem>>
      %dma_start3A = arith.constant 0 : i32
      %dma_start3A_34 = tpu.memref_slice %arg11[%add3A_15, %dma_start3A] : memref<10112x128xf32, #tpu.memory_space<vmem_shared>> -> memref<128x128xf32, #tpu.memory_space<vmem_shared>>
      %dma_start3A_35 = arith.constant 0 : i32
      %dma_start3A_36 = tpu.memref_slice %arg11[%add3A_15, %dma_start3A_35] : memref<10112x128xf32, #tpu.memory_space<vmem_shared>> -> memref<128x128xf32, #tpu.memory_space<vmem_shared>>
      tpu.enqueue_dma source(%arg9 : memref<128x128xf32, #tpu.memory_space<vmem>>) target(%dma_start3A_36 : memref<128x128xf32, #tpu.memory_space<vmem_shared>>) target_semaphore(%run_scoped3A : memref<!tpu.dma_semaphore, #tpu.memory_space<semaphore_mem>>)
      %dma_wait3A = arith.constant 0 : i32
      %dma_wait3A_37 = tpu.memref_slice %arg11[%add3A_15, %dma_wait3A] : memref<10112x128xf32, #tpu.memory_space<vmem_shared>> -> memref<128x128xf32, #tpu.memory_space<vmem_shared>>
      %dma_wait3A_38 = arith.constant 0 : i32
      %dma_wait3A_39 = tpu.memref_slice %arg11[%add3A_15, %dma_wait3A_38] : memref<10112x128xf32, #tpu.memory_space<vmem_shared>> -> memref<128x128xf32, #tpu.memory_space<vmem_shared>>
      tpu.wait_dma2 semaphore(%run_scoped3A : memref<!tpu.dma_semaphore, #tpu.memory_space<semaphore_mem>>) src(%arg9 : memref<128x128xf32, #tpu.memory_space<vmem>>) dst(%dma_wait3A_39 : memref<128x128xf32, #tpu.memory_space<vmem_shared>>)
      tpu.yield
    }) : () -> ()
    %add3A_16 = arith.constant 256 : i32
    %add3A_17 = arith.addi %mul3A_12, %add3A_16 : i32
    "tpu.region"() ({
      %run_scoped3A = tpu.sem_alloc : memref<!tpu.dma_semaphore, #tpu.memory_space<semaphore_mem>>
      %dma_start3A = arith.constant 0 : i32
      %dma_start3A_34 = tpu.memref_slice %arg11[%add3A_17, %dma_start3A] : memref<10112x128xf32, #tpu.memory_space<vmem_shared>> -> memref<128x128xf32, #tpu.memory_space<vmem_shared>>
      %dma_start3A_35 = arith.constant 0 : i32
      %dma_start3A_36 = tpu.memref_slice %arg11[%add3A_17, %dma_start3A_35] : memref<10112x128xf32, #tpu.memory_space<vmem_shared>> -> memref<128x128xf32, #tpu.memory_space<vmem_shared>>
      tpu.enqueue_dma source(%arg9 : memref<128x128xf32, #tpu.memory_space<vmem>>) target(%dma_start3A_36 : memref<128x128xf32, #tpu.memory_space<vmem_shared>>) target_semaphore(%run_scoped3A : memref<!tpu.dma_semaphore, #tpu.memory_space<semaphore_mem>>)
      %dma_wait3A = arith.constant 0 : i32
      %dma_wait3A_37 = tpu.memref_slice %arg11[%add3A_17, %dma_wait3A] : memref<10112x128xf32, #tpu.memory_space<vmem_shared>> -> memref<128x128xf32, #tpu.memory_space<vmem_shared>>
      %dma_wait3A_38 = arith.constant 0 : i32
      %dma_wait3A_39 = tpu.memref_slice %arg11[%add3A_17, %dma_wait3A_38] : memref<10112x128xf32, #tpu.memory_space<vmem_shared>> -> memref<128x128xf32, #tpu.memory_space<vmem_shared>>
      tpu.wait_dma2 semaphore(%run_scoped3A : memref<!tpu.dma_semaphore, #tpu.memory_space<semaphore_mem>>) src(%arg9 : memref<128x128xf32, #tpu.memory_space<vmem>>) dst(%dma_wait3A_39 : memref<128x128xf32, #tpu.memory_space<vmem_shared>>)
      tpu.yield
    }) : () -> ()
    %add3A_18 = arith.constant 384 : i32
    %add3A_19 = arith.addi %mul3A_12, %add3A_18 : i32
    "tpu.region"() ({
      %run_scoped3A = tpu.sem_alloc : memref<!tpu.dma_semaphore, #tpu.memory_space<semaphore_mem>>
      %dma_start3A = arith.constant 0 : i32
      %dma_start3A_34 = tpu.memref_slice %arg11[%add3A_19, %dma_start3A] : memref<10112x128xf32, #tpu.memory_space<vmem_shared>> -> memref<128x128xf32, #tpu.memory_space<vmem_shared>>
      %dma_start3A_35 = arith.constant 0 : i32
      %dma_start3A_36 = tpu.memref_slice %arg11[%add3A_19, %dma_start3A_35] : memref<10112x128xf32, #tpu.memory_space<vmem_shared>> -> memref<128x128xf32, #tpu.memory_space<vmem_shared>>
      tpu.enqueue_dma source(%arg9 : memref<128x128xf32, #tpu.memory_space<vmem>>) target(%dma_start3A_36 : memref<128x128xf32, #tpu.memory_space<vmem_shared>>) target_semaphore(%run_scoped3A : memref<!tpu.dma_semaphore, #tpu.memory_space<semaphore_mem>>)
      %dma_wait3A = arith.constant 0 : i32
      %dma_wait3A_37 = tpu.memref_slice %arg11[%add3A_19, %dma_wait3A] : memref<10112x128xf32, #tpu.memory_space<vmem_shared>> -> memref<128x128xf32, #tpu.memory_space<vmem_shared>>
      %dma_wait3A_38 = arith.constant 0 : i32
      %dma_wait3A_39 = tpu.memref_slice %arg11[%add3A_19, %dma_wait3A_38] : memref<10112x128xf32, #tpu.memory_space<vmem_shared>> -> memref<128x128xf32, #tpu.memory_space<vmem_shared>>
      tpu.wait_dma2 semaphore(%run_scoped3A : memref<!tpu.dma_semaphore, #tpu.memory_space<semaphore_mem>>) src(%arg9 : memref<128x128xf32, #tpu.memory_space<vmem>>) dst(%dma_wait3A_39 : memref<128x128xf32, #tpu.memory_space<vmem_shared>>)
      tpu.yield
    }) : () -> ()
    %add3A_20 = arith.constant 512 : i32
    %add3A_21 = arith.addi %mul3A_12, %add3A_20 : i32
    "tpu.region"() ({
      %run_scoped3A = tpu.sem_alloc : memref<!tpu.dma_semaphore, #tpu.memory_space<semaphore_mem>>
      %dma_start3A = arith.constant 0 : i32
      %dma_start3A_34 = arith.constant 0 : i32
      %dma_start3A_35 = tpu.memref_slice %arg9[%dma_start3A, %dma_start3A_34] : memref<128x128xf32, #tpu.memory_space<vmem>> -> memref<120x128xf32, #tpu.memory_space<vmem>>
      %dma_start3A_36 = arith.constant 0 : i32
      %dma_start3A_37 = tpu.memref_slice %arg11[%add3A_21, %dma_start3A_36] : memref<10112x128xf32, #tpu.memory_space<vmem_shared>> -> memref<120x128xf32, #tpu.memory_space<vmem_shared>>
      %dma_start3A_38 = arith.constant 0 : i32
      %dma_start3A_39 = tpu.memref_slice %arg11[%add3A_21, %dma_start3A_38] : memref<10112x128xf32, #tpu.memory_space<vmem_shared>> -> memref<120x128xf32, #tpu.memory_space<vmem_shared>>
      %dma_start3A_40 = arith.constant 0 : i32
      %dma_start3A_41 = arith.constant 0 : i32
      %dma_start3A_42 = tpu.memref_slice %arg9[%dma_start3A_40, %dma_start3A_41] : memref<128x128xf32, #tpu.memory_space<vmem>> -> memref<120x128xf32, #tpu.memory_space<vmem>>
      tpu.enqueue_dma source(%dma_start3A_42 : memref<120x128xf32, #tpu.memory_space<vmem>>) target(%dma_start3A_39 : memref<120x128xf32, #tpu.memory_space<vmem_shared>>) target_semaphore(%run_scoped3A : memref<!tpu.dma_semaphore, #tpu.memory_space<semaphore_mem>>)
      %dma_wait3A = arith.constant 0 : i32
      %dma_wait3A_43 = arith.constant 0 : i32
      %dma_wait3A_44 = tpu.memref_slice %arg9[%dma_wait3A, %dma_wait3A_43] : memref<128x128xf32, #tpu.memory_space<vmem>> -> memref<120x128xf32, #tpu.memory_space<vmem>>
      %dma_wait3A_45 = arith.constant 0 : i32
      %dma_wait3A_46 = tpu.memref_slice %arg11[%add3A_21, %dma_wait3A_45] : memref<10112x128xf32, #tpu.memory_space<vmem_shared>> -> memref<120x128xf32, #tpu.memory_space<vmem_shared>>
      %dma_wait3A_47 = arith.constant 0 : i32
      %dma_wait3A_48 = tpu.memref_slice %arg11[%add3A_21, %dma_wait3A_47] : memref<10112x128xf32, #tpu.memory_space<vmem_shared>> -> memref<120x128xf32, #tpu.memory_space<vmem_shared>>
      %dma_wait3A_49 = arith.constant 0 : i32
      %dma_wait3A_50 = arith.constant 0 : i32
      %dma_wait3A_51 = tpu.memref_slice %arg9[%dma_wait3A_49, %dma_wait3A_50] : memref<128x128xf32, #tpu.memory_space<vmem>> -> memref<120x128xf32, #tpu.memory_space<vmem>>
      tpu.wait_dma2 semaphore(%run_scoped3A : memref<!tpu.dma_semaphore, #tpu.memory_space<semaphore_mem>>) src(%dma_wait3A_51 : memref<120x128xf32, #tpu.memory_space<vmem>>) dst(%dma_wait3A_48 : memref<120x128xf32, #tpu.memory_space<vmem_shared>>)
      tpu.yield
    }) : () -> ()
    %barrier3A = arith.constant 0 : index
    tpu.barrier barrier_id(%barrier3A)
    %broadcast_in_dim3A_22 = arith.constant 1.000000e+00 : f32
    %broadcast_in_dim3A_23 = vector.broadcast %broadcast_in_dim3A_22 : f32 to vector<16xf32>
    %scan3A_24 = arith.constant 0 : i32
    %scan3A_25 = arith.constant 0 : i32
    %scan3A_26 = arith.constant 79 : i32
    %scan3A_27 = arith.addi %scan3A_25, %scan3A_26 : i32
    %scan3A_28 = arith.constant 1 : i32
    scf.for %scan3A_34 = %scan3A_25 to %scan3A_27 step %scan3A_28  : i32 {
      %dma_start3A = arith.constant 0 : i32
      %dma_start3A_35 = tpu.memref_slice %arg7[%scan3A_34, %dma_start3A] : memref<79x128xi32, #tpu.memory_space<vmem>> -> memref<1x128xi32, #tpu.memory_space<vmem>>
      %dma_start3A_36 = tpu.memref_squeeze %dma_start3A_35 : memref<1x128xi32, #tpu.memory_space<vmem>> -> memref<128xi32, #tpu.memory_space<vmem>>
      %dma_start3A_37 = arith.constant 0 : i32
      %dma_start3A_38 = arith.constant 0 : i32
      %dma_start3A_39 = tpu.memref_slice %arg2[%dma_start3A_37, %dma_start3A_38] : memref<10000x128xf32, #tpu.memory_space<hbm>> -> memref<10000x128xf32, #tpu.memory_space<hbm>>
      tpu.enqueue_indirect_dma source(%dma_start3A_39 : memref<10000x128xf32, #tpu.memory_space<hbm>>) target(%arg9 : memref<128x128xf32, #tpu.memory_space<vmem>>) offsets(%dma_start3A_36 : memref<128xi32, #tpu.memory_space<vmem>>) semaphore(%arg12 : memref<!tpu.dma_semaphore, #tpu.memory_space<semaphore_mem>>)
      %dma_wait3A = arith.constant 0 : i32
      %dma_wait3A_40 = tpu.memref_slice %arg7[%scan3A_34, %dma_wait3A] : memref<79x128xi32, #tpu.memory_space<vmem>> -> memref<1x128xi32, #tpu.memory_space<vmem>>
      %dma_wait3A_41 = tpu.memref_squeeze %dma_wait3A_40 : memref<1x128xi32, #tpu.memory_space<vmem>> -> memref<128xi32, #tpu.memory_space<vmem>>
      %dma_wait3A_42 = arith.constant 0 : i32
      %dma_wait3A_43 = arith.constant 0 : i32
      %dma_wait3A_44 = tpu.memref_slice %arg2[%dma_wait3A_42, %dma_wait3A_43] : memref<10000x128xf32, #tpu.memory_space<hbm>> -> memref<10000x128xf32, #tpu.memory_space<hbm>>
      tpu.wait_indirect_dma semaphore(%arg12 : memref<!tpu.dma_semaphore, #tpu.memory_space<semaphore_mem>>) src(%dma_wait3A_44 : memref<10000x128xf32, #tpu.memory_space<hbm>>) dst(%arg9 : memref<128x128xf32, #tpu.memory_space<vmem>>)
      "tpu.region"() ({
        %run_scoped3A = tpu.sem_alloc : memref<!tpu.dma_semaphore, #tpu.memory_space<semaphore_mem>>
        %dma_start3A_51 = arith.constant 0 : i32
        %dma_start3A_52 = tpu.memref_slice %arg8[%scan3A_34, %dma_start3A_51] : memref<79x128xi32, #tpu.memory_space<vmem>> -> memref<1x128xi32, #tpu.memory_space<vmem>>
        %dma_start3A_53 = tpu.memref_squeeze %dma_start3A_52 : memref<1x128xi32, #tpu.memory_space<vmem>> -> memref<128xi32, #tpu.memory_space<vmem>>
        %dma_start3A_54 = arith.constant 0 : i32
        %dma_start3A_55 = arith.constant 0 : i32
        %dma_start3A_56 = tpu.memref_slice %arg11[%dma_start3A_54, %dma_start3A_55] : memref<10112x128xf32, #tpu.memory_space<vmem_shared>> -> memref<10112x128xf32, #tpu.memory_space<vmem_shared>>
        tpu.enqueue_indirect_dma source(%arg9 : memref<128x128xf32, #tpu.memory_space<vmem>>) target(%dma_start3A_56 : memref<10112x128xf32, #tpu.memory_space<vmem_shared>>) offsets(%dma_start3A_53 : memref<128xi32, #tpu.memory_space<vmem>>) semaphore(%run_scoped3A : memref<!tpu.dma_semaphore, #tpu.memory_space<semaphore_mem>>) {add = true}
        %dma_wait3A_57 = arith.constant 0 : i32
        %dma_wait3A_58 = tpu.memref_slice %arg8[%scan3A_34, %dma_wait3A_57] : memref<79x128xi32, #tpu.memory_space<vmem>> -> memref<1x128xi32, #tpu.memory_space<vmem>>
        %dma_wait3A_59 = tpu.memref_squeeze %dma_wait3A_58 : memref<1x128xi32, #tpu.memory_space<vmem>> -> memref<128xi32, #tpu.memory_space<vmem>>
        %dma_wait3A_60 = arith.constant 0 : i32
        %dma_wait3A_61 = arith.constant 0 : i32
        %dma_wait3A_62 = tpu.memref_slice %arg11[%dma_wait3A_60, %dma_wait3A_61] : memref<10112x128xf32, #tpu.memory_space<vmem_shared>> -> memref<10112x128xf32, #tpu.memory_space<vmem_shared>>
        tpu.wait_indirect_dma semaphore(%run_scoped3A : memref<!tpu.dma_semaphore, #tpu.memory_space<semaphore_mem>>) src(%arg9 : memref<128x128xf32, #tpu.memory_space<vmem>>) dst(%dma_wait3A_62 : memref<10112x128xf32, #tpu.memory_space<vmem_shared>>)
        tpu.yield
      }) : () -> ()
      %scan3A_45 = arith.constant 0 : i32
      %scan3A_46 = arith.constant 0 : i32
      %scan3A_47 = arith.constant 8 : i32
      %scan3A_48 = arith.addi %scan3A_46, %scan3A_47 : i32
      %scan3A_49 = arith.constant 1 : i32
      scf.for %scan3A_51 = %scan3A_46 to %scan3A_48 step %scan3A_49  : i32 {
        %mul3A_52 = arith.constant 16 : i32
        %mul3A_53 = arith.muli %scan3A_51, %mul3A_52 : i32
        %get3A = arith.index_cast %scan3A_34 : i32 to index
        %get3A_54 = arith.index_cast %mul3A_53 : i32 to index
        %get3A_55 = tpu.vector_load %arg8[%get3A, %get3A_54] {strides = array<i32>} : memref<79x128xi32, #tpu.memory_space<vmem>>, vector<16xi32>,
        tpu.vector_store_idx %arg10[%get3A_55], %broadcast_in_dim3A_23 {add = true} : memref<10112xf32, #tpu.memory_space<vmem>>[vector<16xi32>], vector<16xf32>,
      }
      %scan3A_50 = arith.constant 8 : i32
    }
    %scan3A_29 = arith.constant 79 : i32
    %barrier3A_30 = arith.constant 0 : index
    tpu.barrier barrier_id(%barrier3A_30)
    "tpu.region"() ({
      %run_scoped3A = tpu.sem_alloc : memref<!tpu.dma_semaphore, #tpu.memory_space<semaphore_mem>>
      %dma_start3A = arith.constant 0 : i32
      %dma_start3A_34 = tpu.memref_slice %arg5[%arg0, %mul3A_12, %dma_start3A] : memref<2x10112x128xf32, #tpu.memory_space<hbm>> -> memref<1x632x128xf32, #tpu.memory_space<hbm>>
      %dma_start3A_35 = tpu.memref_squeeze %dma_start3A_34 : memref<1x632x128xf32, #tpu.memory_space<hbm>> -> memref<632x128xf32, #tpu.memory_space<hbm>>
      %dma_start3A_36 = arith.constant 0 : i32
      %dma_start3A_37 = tpu.memref_slice %arg11[%mul3A_12, %dma_start3A_36] : memref<10112x128xf32, #tpu.memory_space<vmem_shared>> -> memref<632x128xf32, #tpu.memory_space<vmem_shared>>
      tpu.enqueue_dma source(%dma_start3A_37 : memref<632x128xf32, #tpu.memory_space<vmem_shared>>) target(%dma_start3A_35 : memref<632x128xf32, #tpu.memory_space<hbm>>) target_semaphore(%run_scoped3A : memref<!tpu.dma_semaphore, #tpu.memory_space<semaphore_mem>>)
      %dma_wait3A = arith.constant 0 : i32
      %dma_wait3A_38 = tpu.memref_slice %arg5[%arg0, %mul3A_12, %dma_wait3A] : memref<2x10112x128xf32, #tpu.memory_space<hbm>> -> memref<1x632x128xf32, #tpu.memory_space<hbm>>
      %dma_wait3A_39 = tpu.memref_squeeze %dma_wait3A_38 : memref<1x632x128xf32, #tpu.memory_space<hbm>> -> memref<632x128xf32, #tpu.memory_space<hbm>>
      %dma_wait3A_40 = arith.constant 0 : i32
      %dma_wait3A_41 = tpu.memref_slice %arg11[%mul3A_12, %dma_wait3A_40] : memref<10112x128xf32, #tpu.memory_space<vmem_shared>> -> memref<632x128xf32, #tpu.memory_space<vmem_shared>>
      tpu.wait_dma2 semaphore(%run_scoped3A : memref<!tpu.dma_semaphore, #tpu.memory_space<semaphore_mem>>) src(%dma_wait3A_41 : memref<632x128xf32, #tpu.memory_space<vmem_shared>>) dst(%dma_wait3A_39 : memref<632x128xf32, #tpu.memory_space<hbm>>)
      tpu.yield
    }) : () -> ()
    %mul3A_31 = arith.constant 16 : i32
    %mul3A_32 = arith.muli %arg0, %mul3A_31 : i32
    %add3A_33 = arith.addi %mul3A_32, %arg1 : i32
    "tpu.region"() ({
      %run_scoped3A = tpu.sem_alloc : memref<!tpu.dma_semaphore, #tpu.memory_space<semaphore_mem>>
      %dma_start3A = arith.constant 0 : i32
      %dma_start3A_34 = tpu.memref_slice %arg6[%add3A_33, %dma_start3A] : memref<32x10112xf32, #tpu.memory_space<hbm>> -> memref<1x10112xf32, #tpu.memory_space<hbm>>
      %dma_start3A_35 = tpu.memref_squeeze %dma_start3A_34 : memref<1x10112xf32, #tpu.memory_space<hbm>> -> memref<10112xf32, #tpu.memory_space<hbm>>
      %dma_start3A_36 = arith.constant 0 : i32
      %dma_start3A_37 = tpu.memref_slice %arg6[%add3A_33, %dma_start3A_36] : memref<32x10112xf32, #tpu.memory_space<hbm>> -> memref<1x10112xf32, #tpu.memory_space<hbm>>
      %dma_start3A_38 = tpu.memref_squeeze %dma_start3A_37 : memref<1x10112xf32, #tpu.memory_space<hbm>> -> memref<10112xf32, #tpu.memory_space<hbm>>
      tpu.enqueue_dma source(%arg10 : memref<10112xf32, #tpu.memory_space<vmem>>) target(%dma_start3A_38 : memref<10112xf32, #tpu.memory_space<hbm>>) target_semaphore(%run_scoped3A : memref<!tpu.dma_semaphore, #tpu.memory_space<semaphore_mem>>)
      %dma_wait3A = arith.constant 0 : i32
      %dma_wait3A_39 = tpu.memref_slice %arg6[%add3A_33, %dma_wait3A] : memref<32x10112xf32, #tpu.memory_space<hbm>> -> memref<1x10112xf32, #tpu.memory_space<hbm>>
      %dma_wait3A_40 = tpu.memref_squeeze %dma_wait3A_39 : memref<1x10112xf32, #tpu.memory_space<hbm>> -> memref<10112xf32, #tpu.memory_space<hbm>>
      %dma_wait3A_41 = arith.constant 0 : i32
      %dma_wait3A_42 = tpu.memref_slice %arg6[%add3A_33, %dma_wait3A_41] : memref<32x10112xf32, #tpu.memory_space<hbm>> -> memref<1x10112xf32, #tpu.memory_space<hbm>>
      %dma_wait3A_43 = tpu.memref_squeeze %dma_wait3A_42 : memref<1x10112xf32, #tpu.memory_space<hbm>> -> memref<10112xf32, #tpu.memory_space<hbm>>
      tpu.wait_dma2 semaphore(%run_scoped3A : memref<!tpu.dma_semaphore, #tpu.memory_space<semaphore_mem>>) src(%arg10 : memref<10112xf32, #tpu.memory_space<vmem>>) dst(%dma_wait3A_43 : memref<10112xf32, #tpu.memory_space<hbm>>)
      tpu.yield
    }) : () -> ()
    return
  }
}

module attributes {stable_mosaic.version = 14 : i64} {
  func.func @_tc_body(%arg0: i32, %arg1: memref<1000x128xf32, #tpu.memory_space<vmem>>, %arg2: memref<1x1000x128xf32, #tpu.memory_space<vmem>>, %arg3: memref<1x1000x128xf32, #tpu.memory_space<vmem>>, %arg4: memref<1000x32xf32, #tpu.memory_space<vmem>>, %arg5: memref<128x128xf32, #tpu.memory_space<vmem>>, %arg6: memref<128x128xf32, #tpu.memory_space<vmem>>, %arg7: memref<1x128xf32, #tpu.memory_space<vmem>>, %arg8: memref<128x128xf32, #tpu.memory_space<vmem>>, %arg9: memref<1x128xf32, #tpu.memory_space<vmem>>, %arg10: memref<1000x128xf32, #tpu.memory_space<vmem>>, %arg11: memref<1000x128xf32, #tpu.memory_space<vmem>>) attributes {dimension_semantics = [#tpu.dimension_semantics<arbitrary>], iteration_bounds = array<i64: 10>, scalar_prefetch = 0 : i64, scratch_operands = 0 : i64, tpu.core_type = #tpu.core_type<tc>, window_params = [{transform_indices = @transform_0, window_bounds = array<i64: 1000, 128>}, {transform_indices = @transform_1, window_bounds = array<i64: 1, 1000, 128>}, {transform_indices = @transform_2, window_bounds = array<i64: 1, 1000, 128>}, {transform_indices = @transform_3, window_bounds = array<i64: 1000, 32>}, {pipeline_mode = #tpu.pipeline_mode<synchronous>, transform_indices = @transform_4, window_bounds = array<i64: 128, 128>}, {pipeline_mode = #tpu.pipeline_mode<synchronous>, transform_indices = @transform_5, window_bounds = array<i64: 128, 128>}, {pipeline_mode = #tpu.pipeline_mode<synchronous>, transform_indices = @transform_6, window_bounds = array<i64: 1, 128>}, {pipeline_mode = #tpu.pipeline_mode<synchronous>, transform_indices = @transform_7, window_bounds = array<i64: 128, 128>}, {pipeline_mode = #tpu.pipeline_mode<synchronous>, transform_indices = @transform_8, window_bounds = array<i64: 1, 128>}, {transform_indices = @transform_9, window_bounds = array<i64: 1000, 128>}, {transform_indices = @transform_10, window_bounds = array<i64: 1000, 128>}]} {
    %get3A = arith.constant 0 : index
    %get3A_0 = arith.constant 0 : index
    %get3A_1 = vector.load %arg4[%get3A, %get3A_0] : memref<1000x32xf32, #tpu.memory_space<vmem>>, vector<1000x32xf32>
    %reduce_sum3A = arith.constant dense<0.000000e+00> : vector<1000xf32>
    %reduce_sum3A_2 = vector.multi_reduction <add>, %get3A_1, %reduce_sum3A [1] : vector<1000x32xf32> to vector<1000xf32>
    %get3A_3 = arith.constant 0 : index
    %get3A_4 = arith.constant 0 : index
    %get3A_5 = arith.constant 0 : index
    %get3A_6 = vector.load %arg2[%get3A_3, %get3A_4, %get3A_5] : memref<1x1000x128xf32, #tpu.memory_space<vmem>>, vector<1x1000x128xf32>
    %get3A_7 = vector.shape_cast %get3A_6 : vector<1x1000x128xf32> to vector<1000x128xf32>
    %get3A_8 = arith.constant 0 : index
    %get3A_9 = arith.constant 0 : index
    %get3A_10 = arith.constant 0 : index
    %get3A_11 = vector.load %arg3[%get3A_8, %get3A_9, %get3A_10] : memref<1x1000x128xf32, #tpu.memory_space<vmem>>, vector<1x1000x128xf32>
    %get3A_12 = vector.shape_cast %get3A_11 : vector<1x1000x128xf32> to vector<1000x128xf32>
    %add3A = arith.addf %get3A_7, %get3A_12 : vector<1000x128xf32>
    %broadcast_in_dim3A = vector.shape_cast %reduce_sum3A_2 : vector<1000xf32> to vector<1000x1xf32>
    %gt3A = arith.constant 0.000000e+00 : f32
    %gt3A_13 = vector.broadcast %gt3A : f32 to vector<1000x1xf32>
    %gt3A_14 = arith.cmpf ogt, %broadcast_in_dim3A, %gt3A_13 : vector<1000x1xf32>
    %max3A = arith.constant 1.000000e+00 : f32
    %max3A_15 = vector.broadcast %max3A : f32 to vector<1000xf32>
    %max3A_16 = arith.maximumf %reduce_sum3A_2, %max3A_15 : vector<1000xf32>
    %broadcast_in_dim3A_17 = vector.shape_cast %max3A_16 : vector<1000xf32> to vector<1000x1xf32>
    %div3A = vector.broadcast %broadcast_in_dim3A_17 : vector<1000x1xf32> to vector<1000x128xf32>
    %div3A_18 = arith.divf %add3A, %div3A : vector<1000x128xf32>
    %jit3A = arith.constant 0.000000e+00 : f32
    %broadcast_in_dim3A_19 = vector.shape_cast %gt3A_14 : vector<1000x1xi1> to vector<1000x1xi1>
    %broadcast_in_dim3A_20 = vector.broadcast %broadcast_in_dim3A_19 : vector<1000x1xi1> to vector<1000x128xi1>
    %broadcast_in_dim3A_21 = vector.broadcast %jit3A : f32 to vector<1000x128xf32>
    %select_n3A = arith.select %broadcast_in_dim3A_20, %div3A_18, %broadcast_in_dim3A_21 : vector<1000x128xi1>, vector<1000x128xf32>
    %get3A_22 = arith.constant 0 : index
    %get3A_23 = arith.constant 0 : index
    %get3A_24 = vector.load %arg1[%get3A_22, %get3A_23] : memref<1000x128xf32, #tpu.memory_space<vmem>>, vector<1000x128xf32>
    %get3A_25 = arith.constant 0 : index
    %get3A_26 = arith.constant 0 : index
    %get3A_27 = vector.load %arg5[%get3A_25, %get3A_26] : memref<128x128xf32, #tpu.memory_space<vmem>>, vector<128x128xf32>
    %dot_general3A = arith.constant dense<0.000000e+00> : vector<1000x128xf32>
    %dot_general3A_28 = tpu.matmul %get3A_24, %get3A_27, %dot_general3A {dimension_numbers = #tpu.dot_dimension_numbers<[1], [0], [0], [1], [0, 0, 1, 1], [], []>, transpose_lhs_hint = false} : vector<1000x128xf32>, vector<128x128xf32>, vector<1000x128xf32> -> vector<1000x128xf32>
    %get3A_29 = arith.constant 0 : index
    %get3A_30 = arith.constant 0 : index
    %get3A_31 = vector.load %arg6[%get3A_29, %get3A_30] : memref<128x128xf32, #tpu.memory_space<vmem>>, vector<128x128xf32>
    %dot_general3A_32 = arith.constant dense<0.000000e+00> : vector<1000x128xf32>
    %dot_general3A_33 = tpu.matmul %select_n3A, %get3A_31, %dot_general3A_32 {dimension_numbers = #tpu.dot_dimension_numbers<[1], [0], [0], [1], [0, 0, 1, 1], [], []>, transpose_lhs_hint = false} : vector<1000x128xf32>, vector<128x128xf32>, vector<1000x128xf32> -> vector<1000x128xf32>
    %add3A_34 = arith.addf %dot_general3A_28, %dot_general3A_33 : vector<1000x128xf32>
    %get3A_35 = arith.constant 0 : index
    %get3A_36 = arith.constant 0 : index
    %get3A_37 = vector.load %arg7[%get3A_35, %get3A_36] : memref<1x128xf32, #tpu.memory_space<vmem>>, vector<1x128xf32>
    %add3A_38 = vector.broadcast %get3A_37 : vector<1x128xf32> to vector<1000x128xf32>
    %add3A_39 = arith.addf %add3A_34, %add3A_38 : vector<1000x128xf32>
    %max3A_40 = arith.constant 0.000000e+00 : f32
    %max3A_41 = vector.broadcast %max3A_40 : f32 to vector<1000x128xf32>
    %max3A_42 = arith.maximumf %add3A_39, %max3A_41 : vector<1000x128xf32>
    %swap3A = arith.constant 0 : index
    %swap3A_43 = arith.constant 0 : index
    %swap3A_44 = vector.load %arg10[%swap3A, %swap3A_43] : memref<1000x128xf32, #tpu.memory_space<vmem>>, vector<1000x128xf32>
    tpu.vector_store %arg10[%swap3A, %swap3A_43], %max3A_42 {strides = array<i32>} : memref<1000x128xf32, #tpu.memory_space<vmem>>, vector<1000x128xf32>,
    %get3A_45 = arith.constant 0 : index
    %get3A_46 = arith.constant 0 : index
    %get3A_47 = vector.load %arg8[%get3A_45, %get3A_46] : memref<128x128xf32, #tpu.memory_space<vmem>>, vector<128x128xf32>
    %dot_general3A_48 = arith.constant dense<0.000000e+00> : vector<1000x128xf32>
    %dot_general3A_49 = tpu.matmul %max3A_42, %get3A_47, %dot_general3A_48 {dimension_numbers = #tpu.dot_dimension_numbers<[1], [0], [0], [1], [0, 0, 1, 1], [], []>, transpose_lhs_hint = false} : vector<1000x128xf32>, vector<128x128xf32>, vector<1000x128xf32> -> vector<1000x128xf32>
    %get3A_50 = arith.constant 0 : index
    %get3A_51 = arith.constant 0 : index
    %get3A_52 = vector.load %arg9[%get3A_50, %get3A_51] : memref<1x128xf32, #tpu.memory_space<vmem>>, vector<1x128xf32>
    %add3A_53 = vector.broadcast %get3A_52 : vector<1x128xf32> to vector<1000x128xf32>
    %add3A_54 = arith.addf %dot_general3A_49, %add3A_53 : vector<1000x128xf32>
    %swap3A_55 = arith.constant 0 : index
    %swap3A_56 = arith.constant 0 : index
    %swap3A_57 = vector.load %arg11[%swap3A_55, %swap3A_56] : memref<1000x128xf32, #tpu.memory_space<vmem>>, vector<1000x128xf32>
    tpu.vector_store %arg11[%swap3A_55, %swap3A_56], %add3A_54 {strides = array<i32>} : memref<1000x128xf32, #tpu.memory_space<vmem>>, vector<1000x128xf32>,
    return
  }
  func.func @transform_0(%arg0: i32) -> (i32, i32) {
    %c0_i32 = arith.constant 0 : i32
    %c0_i32_0 = arith.constant 0 : i32
    return %arg0, %c0_i32 : i32, i32
  }
  func.func @transform_1(%arg0: i32) -> (i32, i32, i32) {
    %c0_i32 = arith.constant 0 : i32
    %c0_i32_0 = arith.constant 0 : i32
    %c0_i32_1 = arith.constant 0 : i32
    return %c0_i32, %arg0, %c0_i32_0 : i32, i32, i32
  }
  func.func @transform_2(%arg0: i32) -> (i32, i32, i32) {
    %c1_i32 = arith.constant 1 : i32
    %c0_i32 = arith.constant 0 : i32
    %c0_i32_0 = arith.constant 0 : i32
    return %c1_i32, %arg0, %c0_i32 : i32, i32, i32
  }
  func.func @transform_3(%arg0: i32) -> (i32, i32) {
    %c0_i32 = arith.constant 0 : i32
    %c0_i32_0 = arith.constant 0 : i32
    return %arg0, %c0_i32 : i32, i32
  }
  func.func @transform_4(%arg0: i32) -> (i32, i32) {
    %c0_i32 = arith.constant 0 : i32
    %c0_i32_0 = arith.constant 0 : i32
    %c0_i32_1 = arith.constant 0 : i32
    return %c0_i32, %c0_i32_0 : i32, i32
  }
  func.func @transform_5(%arg0: i32) -> (i32, i32) {
    %c0_i32 = arith.constant 0 : i32
    %c0_i32_0 = arith.constant 0 : i32
    %c0_i32_1 = arith.constant 0 : i32
    return %c0_i32, %c0_i32_0 : i32, i32
  }
  func.func @transform_6(%arg0: i32) -> (i32, i32) {
    %c0_i32 = arith.constant 0 : i32
    %c0_i32_0 = arith.constant 0 : i32
    %c0_i32_1 = arith.constant 0 : i32
    return %c0_i32, %c0_i32_0 : i32, i32
  }
  func.func @transform_7(%arg0: i32) -> (i32, i32) {
    %c0_i32 = arith.constant 0 : i32
    %c0_i32_0 = arith.constant 0 : i32
    %c0_i32_1 = arith.constant 0 : i32
    return %c0_i32, %c0_i32_0 : i32, i32
  }
  func.func @transform_8(%arg0: i32) -> (i32, i32) {
    %c0_i32 = arith.constant 0 : i32
    %c0_i32_0 = arith.constant 0 : i32
    %c0_i32_1 = arith.constant 0 : i32
    return %c0_i32, %c0_i32_0 : i32, i32
  }
  func.func @transform_9(%arg0: i32) -> (i32, i32) {
    %c0_i32 = arith.constant 0 : i32
    %c0_i32_0 = arith.constant 0 : i32
    return %arg0, %c0_i32 : i32, i32
  }
  func.func @transform_10(%arg0: i32) -> (i32, i32) {
    %c0_i32 = arith.constant 0 : i32
    %c0_i32_0 = arith.constant 0 : i32
    return %arg0, %c0_i32 : i32, i32
  }
}

</mosaic_0001>

<sc_bundles>
// kernel: kernel.4.cloned.1.call-start
scs
__scs_entry_jumppad:
0x0: {  	(pc) =	sbr.rel $0x88, $3  }
0x1: {  	(tag) =	ssettag $0x0;
	lr =	simm.s32 $0x1  }
0x2: {  	[smem:$0x3F9A] =	sst lr;
	_ =	strace $0xD0000000  }
0x3: {  	_ = 	snop  }
0x4: {  	_ = 	snop  }
0x5: {  	_ = 	snop  }
0x6: {  	_ = 	snop  }
0x7: {  	_ = 	snop  }
__scs_overlays_trampoline_lowered:
0x8: {  	[smem:$0x3FA9] =	sst s0  }
0x9: {  	[smem:$0x3FAA] =	sst s1  }
0xa: {  	[smem:$0x3FAB] =	sst s2  }
0xb: {  	[smem:$0x3FAC] =	sst s3  }
0xc: {  	[smem:$0x3FAD] =	sst s4  }
0xd: {  	[smem:$0x3FAE] =	sst s5  }
0xe: {  	[smem:$0x3FAF] =	sst s6  }
0xf: {  	[smem:$0x3FB0] =	sst s7  }
0x10: {  	[smem:$0x3FB1] =	sst s8  }
0x11: {  	[smem:$0x3FB2] =	sst s9;
	s0 =	simm.s32 @!p0 $0x0  }
0x12: {  	s1 =	sld [smem:$0x3F98];
	s0 =	simm.s32 @p0 $0x1  }
0x13: {  	[smem:$0x3FB3] =	sst s0;
	s0 =	simm.s32 @!p1 $0x0  }
0x14: {  	s2 =	sld [smem:$0x3F97];
	s0 =	simm.s32 @p1 $0x1  }
0x15: {  	[smem:$0x3FB4] =	sst s0;
	s0 =	simm.s32 @!p2 $0x0  }
0x16: {  	s3 =	sld [smem:$0x3FDB];
	s0 =	simm.s32 @p2 $0x1  }
0x17: {  	s4 =	simm.s32 $0x1BF5;
	[smem:$0x3FB6] =	sst s0  }
0x18: {  	s0 =	sld [smem:$0x3F99];
	_ =	swait.ge [sflag:s4], $0x0  }
0x19: {  	s7 =	sld [smem:$0x3F9A]  }
0x1a: {  	s8 =	sadd.s32 $0xFFFFE003, lr  }
0x1b: {  	s9 =	sadd.s32 $0xFFFFFEF7, lr;
	s5 =	simm.s32 $0xFFFFFFFF;
	p2 =	slt.u32 s8, $0xFFFFF086  }
0x1c: {  	p1 =	slt.u32 s9, $0xF7A;
	s5 =	simm.s32 @!p2 $0x0  }
0x1d: {  	s5 =	simm.s32 @p1 $0x1;
	p0 =	seq.s32 s7, s2  }
0x1e: {  	s7 =	smul.u32 @!p0 $0xF7A, s2;
	p2 =	seq.s32 @!p0 s5, $0x0  }
0x1f: {  	s9 =	smul.u32 $0xF7A, s1;
	s8 =	simm.s32 @!p0 $0x1BF5;
	p2 =	por !p2, p0  }
0x20: {  	[sflag:s8] =	ssyncset.s32 @!p0 $0xFFFFF086;
	s6 =	sadd.s32 @!p0 s3, s7;
	s7 =	simm.s32 @!p0 $0x108  }
0x21: {  	s3 =	sadd.s32 s3, s9;
	s6 =	sadd.s32 @!p0 $0x88, s6;
	s7 =	simm.s32 @p2 $0x1082  }
0x22: {  	[simem:s7], [sflag:s8] =	dma.local @!p0 [hbm:s6], $0xF7A  }
0x23: {  	s9 =	sor.u32 $0xD0000000, s2;
	s6 =	simm.s32 $0x108;
	_ =	swait.ge @!p0 [sflag:s8], $0x0  }
0x24: {  	s3 =	sadd.s32 $0x88, s3;
	s6 =	simm.s32 @!p1 $0x1082;
	[sflag:s4] =	ssyncset.s32 $0xFFFFF086  }
0x25: {  	[simem:s6], [sflag:s4] =	dma.local [hbm:s3], $0xF7A  }
0x26: {  	[smem:$0x3F9A] =	sst s1;
	(tag) =	ssettag s2;
	_ =	strace s9  }
0x27: {  	s1 =	sld [smem:$0x3FAA]  }
0x28: {  	s2 =	sld [smem:$0x3FAB]  }
0x29: {  	s4 =	sld [smem:$0x3FAD]  }
0x2a: {  	p0 =	seq.s32 s5, $0x0;
	s5 =	sld [smem:$0x3FAE]  }
0x2b: {  	s6 =	sld [smem:$0x3FAF]  }
0x2c: {  	s7 =	sld [smem:$0x3FB0]  }
0x2d: {  	s3 =	simm.s32 $0x108;
	s8 =	sld [smem:$0x3FB1]  }
0x2e: {  	s3 =	simm.s32 @!p0 $0x1082;
	s9 =	sld [smem:$0x3FB2]  }
0x2f: {  	lr =	sadd.s32 s0, s3;
	s0 =	sld [smem:$0x3FA9]  }
0x30: {  	s3 =	sld [smem:$0x3FAC]  }
0x31: {  	[smem:$0x3FB5] =	sst s10  }
0x32: {  	s10 =	sld [smem:$0x3FB3];
	_ =	sdelay $0x3  }
0x33: {  	p0 =	seq.s32 s10, $0x1;
	s10 =	sld [smem:$0x3FB5];
	_ =	sdelay $0x3  }
0x34: {  	[smem:$0x3FB5] =	sst s10  }
0x35: {  	s10 =	sld [smem:$0x3FB4];
	_ =	sdelay $0x3  }
0x36: {  	p1 =	seq.s32 s10, $0x1;
	s10 =	sld [smem:$0x3FB5];
	_ =	sdelay $0x3  }
0x37: {  	[smem:$0x3FB5] =	sst s10  }
0x38: {  	s10 =	sld [smem:$0x3FB6]  }
0x39: {  	_ = 	snop;
	(pc) =	sbr.ind lr, $3  }
0x3a: {  	_ = 	snop  }
0x3b: {  	_ = 	snop  }
0x3c: {  	p2 =	seq.s32 s10, $0x1;
	s10 =	sld [smem:$0x3FB5]  }
0x3d: {  	_ =	shalt  }
0x3e: {  	_ =	shalt  }
0x3f: {  	_ =	shalt  }
0x40: {  	_ =	shalt  }
0x41: {  	_ =	shalt  }
0x42: {  	_ =	shalt  }
0x43: {  	_ =	shalt  }
0x44: {  	_ =	shalt  }
0x45: {  	_ =	shalt  }
0x46: {  	_ =	shalt  }
0x47: {  	_ =	shalt  }
0x48: {  	_ =	shalt  }
0x49: {  	_ =	shalt  }
0x4a: {  	_ =	shalt  }
0x4b: {  	_ =	shalt  }
0x4c: {  	_ =	shalt  }
0x4d: {  	_ =	shalt  }
0x4e: {  	_ =	shalt  }
0x4f: {  	_ =	shalt  }
0x50: {  	_ =	shalt  }
0x51: {  	_ =	shalt  }
0x52: {  	_ =	shalt  }
0x53: {  	_ =	shalt  }
0x54: {  	_ =	shalt  }
0x55: {  	_ =	shalt  }
0x56: {  	_ =	shalt  }
0x57: {  	_ =	shalt  }
0x58: {  	_ =	shalt  }
0x59: {  	_ =	shalt  }
0x5a: {  	_ =	shalt  }
0x5b: {  	_ =	shalt  }
0x5c: {  	_ =	shalt  }
0x5d: {  	_ =	shalt  }
0x5e: {  	_ =	shalt  }
0x5f: {  	_ =	shalt  }
0x60: {  	_ =	shalt  }
0x61: {  	_ =	shalt  }
0x62: {  	_ =	shalt  }
0x63: {  	_ =	shalt  }
0x64: {  	_ =	shalt  }
0x65: {  	_ =	shalt  }
0x66: {  	_ =	shalt  }
0x67: {  	_ =	shalt  }
0x68: {  	_ =	shalt  }
0x69: {  	_ =	shalt  }
0x6a: {  	_ =	shalt  }
0x6b: {  	_ =	shalt  }
0x6c: {  	_ =	shalt  }
0x6d: {  	_ =	shalt  }
0x6e: {  	_ =	shalt  }
0x6f: {  	_ =	shalt  }
0x70: {  	_ =	shalt  }
0x71: {  	_ =	shalt  }
0x72: {  	_ =	shalt  }
0x73: {  	_ =	shalt  }
0x74: {  	_ =	shalt  }
0x75: {  	_ =	shalt  }
0x76: {  	_ =	shalt  }
0x77: {  	_ =	shalt  }
0x78: {  	_ =	shalt  }
0x79: {  	_ =	shalt  }
0x7a: {  	_ =	shalt  }
0x7b: {  	_ =	shalt  }
0x7c: {  	_ =	shalt  }
0x7d: {  	_ =	shalt  }
0x7e: {  	_ =	shalt  }
0x7f: {  	_ =	shalt  }
0x80: {  	_ =	shalt  }
0x81: {  	_ =	shalt  }
0x82: {  	_ =	shalt  }
0x83: {  	_ =	shalt  }
0x84: {  	_ =	shalt  }
0x85: {  	_ =	shalt  }
0x86: {  	_ =	shalt  }
0x87: {  	_ =	shalt  }
.Lfunc_end0:
.L_simem_size_0:
called_computation_lowered:
.L_overlay_start_0:
0x88: {  	s2 =	sld [smem:$0x3FD9]  }
0x89: {  	s3 =	sld [smem:$0x3FFE];
	_ =	sdelay $0x1  }
0x8a: {  	s1 =	srdreg.scid  }
0x8b: {  	s0 =	sand.u32 $0x1, s1  }
0x8c: {  	s14 =	sshll.u32 s0, $0xA;
	s2 =	sadd.s32 s3, s2  }
0x8d: {  	s2 =	sadd.s32 s2, s14  }
0x8e: {  	[smem:$0x3FC1] =	sst s2  }
0x8f: {  	_ = 	snop  }
0x90: {  	s2 =	sld [smem:$0x3FD0];
	_ =	sdelay $0x2  }
0x91: {  	s4 =	simm.s32 $0xA;
	s5 =	simm.s32 $0x10;
	s15 =	sld [smem:$0x3FC9]  }
0x92: {  	[smem:s5], [sflag:s4] =	dma.local [hbm:s2], $0x1  }
0x93: {  	_ =	swait.eq [sflag:s4], $0x1  }
0x94: {  	[sflag:s4] =	ssyncset.done $0x0  }
0x95: {  	s16 =	sld [smem:$0x10];
	[sflag:s4] =	ssyncadd.s32 $0xFFFFFFFF  }
0x96: {  	s17 =	sld [smem:$0x11];
	(tm) =	ssettm $0x1  }
0x97: {  	s18 =	sld [smem:$0x3FFB];
	_ =	sdelay $0x3  }
0x98: {  	_ =	strace s18  }
0x99: {  	s5 =	sld [smem:$0x3FFC];
	_ =	sdelay $0x3  }
0x9a: {  	_ =	strace s5  }
0x9b: {  	s5 =	sld [smem:$0x3FFD];
	_ =	sdelay $0x3  }
0x9c: {  	_ =	strace s5  }
0x9d: {  	_ =	strace $0x8FFFFFFF  }
0x9e: {  	s19 =	sld [smem:$0x3FDB];
	_ =	sdelay $0x1  }
0x9f: {  	s6 =	simm.s32 $_scs_section_size  }
0xa0: {  	s7 =	simm.s32 $_size__tile_overlayer_lowered;
	s8 =	simm.s32 $_tile_overlayer_lowered  }
0xa1: {  	s22 =	simm.s32 $0x1BFF;
	s21 =	sshll.u32 s8, $0x1;
	s5 =	sadd.s32 s6, s19  }
0xa2: {  	s9 =	simm.s32 $0x0;
	s20 =	sshll.u32 s7, $0x1;
	s7 =	sadd.s32 s21, s5  }
0xa3: {  	[timem:s9], [sflag:s22] =	dma.local [hbm:s7], s20  }
0xa4: {  	_ =	swait.ge [sflag:s22], s20  }
0xa5: {  	s6 =	ssub.s32 $0x0, s20;
	[sflag:s22] =	ssyncset.done $0x0  }
0xa6: {  	[sflag:s22] =	ssyncadd.s32 s6;
	_ =	sdelay $0x1  }
0xa7: {  	s23 =	simm.s32 $0x1B8B  }
0xa8: {  	_ =	swait.ge [sflag:s23], $0x1  }
0xa9: {  	[sflag:s23] =	ssyncset.done $0x0  }
0xaa: {  	s25 =	simm.s32 $0x1B8E;
	s24 =	sld [smem:$0x3FFE];
	[sflag:s23] =	ssyncadd.s32 $0xFFFFFFFF  }
0xab: {  	s26 =	simm.s32 $execute0_lowered;
	[smem:$0x3FD2] =	sst s25  }
0xac: {  	s7 =	sshll.u32 s26, $0x1;
	_ =	strace $0x80000046;
	[dreg:$0x1] =	wrdreg $0xFFFFFFFF  }
0xad: {  	s28 =	simm.s32 $_size_execute0_lowered;
	s5 =	sadd.s32 s5, s7;
	[dreg:$0x0] =	wrdreg $0x0  }
0xae: {  	s7 =	sshll.u32 s28, $0x1;
	[dreg:$0x2] =	wrdreg s5  }
0xaf: {  	[dreg:$0x3] =	wrdreg s7  }
0xb0: {  	[dreg:$0x4] =	wrdreg $0xC0  }
0xb1: {  	_ =	task [dreg:s9], $0x5FFFF  }
0xb2: {  	[dreg:$0x1] =	wrdreg $0xFFFFFFFF  }
0xb3: {  	[dreg:$0x0] =	wrdreg $0x60  }
0xb4: {  	[dreg:$0x2] =	wrdreg s15  }
0xb5: {  	[dreg:$0x3] =	wrdreg s17  }
0xb6: {  	[dreg:$0x4] =	wrdreg s16  }
0xb7: {  	[dreg:$0x5] =	wrdreg s24  }
0xb8: {  	[dreg:$0x6] =	wrdreg $0xB7800  }
0xb9: {  	[dreg:$0x7] =	wrdreg $0x9  }
0xba: {  	_ =	task.clear_ibuf [dreg:s9], $0x8FFFF;
	_ =	strace $0x90000046  }
0xbb: {  	s29 =	simm.s32 $0x9;
	_ =	strace $0x80000048  }
0xbc: {  	_ =	swait.ge [sflag:s29], $0x1  }
0xbd: {  	[sflag:s29] =	ssyncadd.s32 $0xFFFFFFFF  }
0xbe: {  	_ =	strace $0x90000048  }
0xbf: {  	_ =	sfence  }
0xc0: {  	s30 =	sld [smem:$0x0];
	_ =	sdelay $0x2  }
0xc1: {  	s31 =	sshll.u32 s1, $0xD;
	s1 =	sshrl.u32 s1, $0x2  }
0xc2: {  	s3 =	sand.u32 $0x4000, s31;
	s1 =	sadd.s32 s1, s30  }
0xc3: {  	s0 =	sor.u32 s3, s0;
	s1 =	sshll.u32 s1, $0x11  }
0xc4: {  	s0 =	sor.u32 s1, s0  }
0xc5: {  	s0 =	sadd.s32 $0x8F2B, s0  }
0xc6: {  	[sflag:s0] =	ssyncadd.remote.s32 $0x1  }
0xc7: {  	_ =	sfence.sel $0xFFFF  }
0xc8: {  	[dreg:$0x0] =	wrdreg $0xFFFFFFFF;
	(pc) =	sbr.abs _section_cstart, $3  }
0xc9: {  	[dreg:$0x1] =	wrdreg $0xFFFFFFFF  }
0xca: {  	_ =	task.clear_ibuf [dreg:s9], $0x2FFFF;
	_ =	strace $0x9FFFFFFF  }
0xcb: {  	(tm) =	ssettm $0x7FFFFFFF  }
tec
execute0_lowered:
.L_overlay_start_1:
0x0: {  	(tag) =	ssettag $0x1  }
0x1: {  	s1 =	rddreg [dreg:$0x0]  }
0x2: {  	s5 =	rddreg [dreg:$0x1]  }
0x3: {  	s6 =	rddreg [dreg:$0x2]  }
0x4: {  	s7 =	rddreg [dreg:$0x3]  }
0x5: {  	s2 =	rddreg [dreg:$0x4]  }
0x6: {  	s3 =	srdreg.scid;
	s0 =	rddreg [dreg:$0x5];
	s4 =	simm.s32 $0x0  }
0x7: {  	s16 =	simm.s32 $0x2800;
	s17 =	simm.s32 $0x5000;
	s18 =	simm.s32 $0x80  }
0x8: {  	s19 =	simm.s32 $0x1;
	s20 =	simm.s32 $0x9000;
	s8 =	sand.u32 $0x1, s3  }
0x9: {  	s21 =	simm.s32 $0x400;
	s3 =	stileid.u32;
	s9 =	smul.u32 $0x13C000, s8  }
0xa: {  	s22 =	simm.s32 $0x0;
	[smem:$0x7FF] =	sst s4;
	s11 =	smul.u32 $0x13C00, s3  }
0xb: {  	s10 =	sshll.u32 s8, $0x4;
	_ =	strace $0x80000047;
	s12 =	smul.u32 $0x28000, s8  }
0xc: {  	s23 =	sshll.u32 s3, $0x7;
	s25 =	smul.u32 $0x2800, s3;
	s10 =	sor.u32 s3, s10  }
0xd: {  	s8 =	ssub.s32 $0x2, s8;
	s26 =	smul.u32 $0x4F000, s3;
	s10 =	sshrl.u32 s10, $0x3  }
0xe: {  	s28 =	sshrl.u32 s8, $0x1;
	s9 =	sadd.s32 s11, s9;
	s10 =	smul.u32 $0x13C00, s10  }
0xf: {  	s11 =	sand.u32 $0x380, s23;
	s29 =	sadd.s32 s25, s12;
	s15 =	ssub.s32 s8, s28  }
0x10: {  	s31 =	sshrl.u32 s26, $0x2;
	s9 =	sshrl.u32 s9, $0x3;
	s24 =	sor.u32 s11, s10  }
0x11: {  	s30 =	sshrl.u32 s29, $0x3;
	s13 =	sadd.s32 s9, s7;
	s9 =	sshrl.u32 s24, $0x3  }
0x12: {  	s5 =	sadd.s32 s5, s30;
	s14 =	sadd.s32 s9, s7;
	s7 =	sadd.s32 s31, s2  }
0x13: {  	s6 =	sadd.s32 s6, s30;
	s12 =	sadd.s32 $0xB200, s13;
	s8 =	sadd.s32 $0x4000, s7  }
0x14: {  	s9 =	sadd.s32 $0x8000, s7;
	s10 =	sadd.s32 $0xC000, s7;
	s11 =	sadd.s32 $0x10000, s7  }
0x15: {  	v0 =	vimm.f32 $0.0e+00;
	v1 =	vimm.f32 $1.000000000e+00;
	s13 =	sadd.s32 $0x1400, s14;
	s14 =	smax.u32 s15, $0x1;
	s15 =	simm.s32 $0x2  }
.LBB2_1:
0x16: {  	[tilespmem:s4], [sflag:$0x2] =	stream.linear.gather [hbm4b:s5+s4], $0x2780, $0x38;
	[tilespmem:$0x1F380] =	vst v63  }
0x17: {  	_ =	swait.ge [sflag:s15], $0x2780  }
0x18: {  	[sflag:s15] =	ssyncset.done $0x0  }
0x19: {  	[sflag:s15] =	ssyncadd.s32 $0xFFFFD880  }
0x1a: {  	[tilespmem:s16], [sflag:$0x2] =	stream.linear.gather [hbm4b:s6+s4], $0x2780, $0x38;
	[tilespmem:$0x1F380] =	vst v63  }
0x1b: {  	_ =	swait.ge [sflag:s15], $0x2780  }
0x1c: {  	[sflag:s15] =	ssyncset.done $0x0  }
0x1d: {  	s23 =	simm.s32 $0x0;
	s24 =	simm.s32 $0x0;
	[sflag:s15] =	ssyncadd.s32 $0xFFFFD880  }
.LBB2_2:
0x1e: {  	p0 =	sne.s32 s24, $0xFFC0  }
.Ltmp0:
0x1f: {  	_ = 	snop;
	(pc) =	sbr.rel @p0 .LBB2_2-.Ltmp0, $4  }
0x20: {  	s25 =	sand.u32 $0xFE00, s24  }
0x21: {  	s26 =	sand.u32 $0x70, s23;
	s25 =	sshrl.u32 s25, $0x2  }
0x22: {  	s25 =	sor.u32 s26, s25  }
0x23: {  	s23 =	sadd.s32 $0x10, s23;
	s24 =	sadd.s32 $0x40, s24;
	[tilespmem:s25+$0x5000] =	vst v0  }
0x24: {  	s23 =	simm.s32 $0x40;
	s24 =	simm.s32 $0x0  }
.LBB2_4:
0x25: {  	p0 =	sne.s32 s23, $0x9DC0;
	[tilespmem:s24+$0x9000] =	vst v0;
	s24 =	smov.u32 s23;
	s23 =	sadd.s32 $0x40, s23  }
.Ltmp1:
0x26: {  	(pc) =	sbr.rel @p0 .LBB2_4-.Ltmp1, $2  }
0x27: {  	_ =	sdelay $0x2  }
0x28: {  	s24 =	sshra.s32 s24, $0x2  }
0x29: {  	[tilespmem:s24+$0x9000] =	vst v0  }
0x2a: {  	[spmem:s7] =	stream.linear.scatter [tilespmem:s17], [sflag:$0x2], $0x4000, $0x38;
	[tilespmem:$0x1F380] =	vst v63  }
0x2b: {  	_ =	swait.ge [sflag:s15], $0x4000  }
0x2c: {  	[sflag:s15] =	ssyncset.done $0x0  }
0x2d: {  	[sflag:s15] =	ssyncadd.s32 $0xFFFFC000  }
0x2e: {  	[spmem:s8] =	stream.linear.scatter [tilespmem:s17], [sflag:$0x2], $0x4000, $0x38;
	[tilespmem:$0x1F380] =	vst v63  }
0x2f: {  	_ =	swait.ge [sflag:s15], $0x4000  }
0x30: {  	[sflag:s15] =	ssyncset.done $0x0  }
0x31: {  	[sflag:s15] =	ssyncadd.s32 $0xFFFFC000  }
0x32: {  	[spmem:s9] =	stream.linear.scatter [tilespmem:s17], [sflag:$0x2], $0x4000, $0x38;
	[tilespmem:$0x1F380] =	vst v63  }
0x33: {  	_ =	swait.ge [sflag:s15], $0x4000  }
0x34: {  	[sflag:s15] =	ssyncset.done $0x0  }
0x35: {  	[sflag:s15] =	ssyncadd.s32 $0xFFFFC000  }
0x36: {  	[spmem:s10] =	stream.linear.scatter [tilespmem:s17], [sflag:$0x2], $0x4000, $0x38;
	[tilespmem:$0x1F380] =	vst v63  }
0x37: {  	_ =	swait.ge [sflag:s15], $0x4000  }
0x38: {  	[sflag:s15] =	ssyncset.done $0x0  }
0x39: {  	[sflag:s15] =	ssyncadd.s32 $0xFFFFC000  }
0x3a: {  	[spmem:s11] =	stream.linear.scatter [tilespmem:s17], [sflag:$0x2], $0x3C00, $0x38;
	[tilespmem:$0x1F380] =	vst v63  }
0x3b: {  	_ =	swait.ge [sflag:s15], $0x3C00  }
0x3c: {  	[sflag:s15] =	ssyncset.done $0x0  }
0x3d: {  	[sflag:s15] =	ssyncadd.s32 $0xFFFFC400  }
0x3e: {  	s23 =	simm.s32 $0x0;
	[bflag:$0x0] =	sbarrier.arrive $0xFFFF  }
.LBB2_6:
0x3f: {  	s24 =	sshra.s32 s23, $0x2  }
0x40: {  	[tilespmem:s17], [sflag:$0x1] =	stream.indirect.gather [hbm4b:s1+s18], $0x80, s24, s18, $0xb8;
	[tilespmem:$0x1F380] =	vst v63  }
0x41: {  	_ =	swait.ge [sflag:s19], $0x4000  }
0x42: {  	[sflag:s19] =	ssyncset.done $0x0  }
0x43: {  	s25 =	sadd.s32 $0x2800, s24;
	[sflag:s19] =	ssyncadd.s32 $0xFFFFC000  }
0x44: {  	[spmem:s2] =	stream.indirect.scatter.add.f32 [tilespmem:s17], [sflag:$0x2], $0x80, s25, s18, $0xb8;
	[tilespmem:$0x1F380] =	vst v63  }
0x45: {  	_ =	swait.ge [sflag:s15], $0x4000  }
0x46: {  	[sflag:s15] =	ssyncset.done $0x0  }
0x47: {  	[sflag:s15] =	ssyncadd.s32 $0xFFFFC000  }
0x48: {  	v2 =	vld [tilespmem:s24+$0x2800];
	_ =	sdelay $0x7  }
0x49: {  	[tilespmem:v2+s20+$0x0] =	vst.idx.add.f32.msk $0xffff, v1  }
0x4a: {  	v2 =	vld [tilespmem:s24+$0x2810];
	_ =	sdelay $0x7  }
0x4b: {  	[tilespmem:v2+s20+$0x0] =	vst.idx.add.f32.msk $0xffff, v1  }
0x4c: {  	v2 =	vld [tilespmem:s24+$0x2820];
	_ =	sdelay $0x7  }
0x4d: {  	[tilespmem:v2+s20+$0x0] =	vst.idx.add.f32.msk $0xffff, v1  }
0x4e: {  	v2 =	vld [tilespmem:s24+$0x2830];
	_ =	sdelay $0x7  }
0x4f: {  	[tilespmem:v2+s20+$0x0] =	vst.idx.add.f32.msk $0xffff, v1  }
0x50: {  	v2 =	vld [tilespmem:s24+$0x2840];
	_ =	sdelay $0x7  }
0x51: {  	[tilespmem:v2+s20+$0x0] =	vst.idx.add.f32.msk $0xffff, v1  }
0x52: {  	v2 =	vld [tilespmem:s24+$0x2850];
	_ =	sdelay $0x7  }
0x53: {  	[tilespmem:v2+s20+$0x0] =	vst.idx.add.f32.msk $0xffff, v1  }
0x54: {  	v2 =	vld [tilespmem:s24+$0x2860];
	_ =	sdelay $0x7  }
0x55: {  	[tilespmem:v2+s20+$0x0] =	vst.idx.add.f32.msk $0xffff, v1  }
0x56: {  	v2 =	vld [tilespmem:s24+$0x2870];
	_ =	sdelay $0x2  }
0x57: {  	p0 =	sne.s32 s23, $0x9C00  }
.Ltmp2:
0x58: {  	_ = 	snop;
	(pc) =	sbr.rel @p0 .LBB2_6-.Ltmp2, $2  }
0x59: {  	_ =	sdelay $0x2  }
0x5a: {  	s23 =	sadd.s32 $0x200, s23;
	[tilespmem:v2+s20+$0x0] =	vst.idx.add.f32.msk $0xffff, v1  }
0x5b: {  	s23 =	sshll.u32 s3, $0x6  }
0x5c: {  	[bflag:$0x0] =	sbarrier.arrive $0xFFFF;
	s24 =	sshrl.u32 s7, $0x3;
	s23 =	sor.u32 $0x1C02, s23  }
0x5d: {  	[hbm:s12], [sflag:s23] =	dma.local [spmem:s24], $0x2780  }
0x5e: {  	s22 =	sadd.s32 $0x1, s22;
	_ =	swait.ge [sflag:s15], $0x2780  }
0x5f: {  	p0 =	sne.s32 s22, s14;
	[sflag:s15] =	ssyncset.done $0x0  }
.Ltmp3:
0x60: {  	[sflag:s15] =	ssyncadd.s32 $0xFFFFD880;
	(pc) =	sbr.rel @p0 .LBB2_1-.Ltmp3, $4  }
0x61: {  	[hbm4b:s13+s18] =	stream.strided.scatter [tilespmem:s20], [sflag:$0x2], $0x2780, s21, s18, $0x38;
	[tilespmem:$0x1F380] =	vst v63  }
0x62: {  	_ =	swait.ge [sflag:s15], $0x2780  }
0x63: {  	[sflag:s15] =	ssyncset.done $0x0  }
0x64: {  	[sflag:s15] =	ssyncadd.s32 $0xFFFFD880  }
0x65: {  	_ =	sfence.sel $0x180000  }
0x66: {  	[bflag:$0x0] =	sbarrier.arrive $0xFFFF  }
0x67: {  	p0 =	sne.s32 s3, $0x0;
	_ =	strace $0x90000047  }
0x68: {  	s0 =	sadd.s32 @!p0 $0x100000, s0;
	[bflag:$0x2] =	sbarrier.arrive $0xFFFF  }
0x69: {  	[sflag:s0] =	ssyncadd.tile.s32 @!p0 $0x1;
	_ =	shalt  }
.Lfunc_end2:
_tile_overlayer_lowered:
.L_overlay_start_2:
0x6a: {  	(tag) =	ssettag $0x2  }
0x6b: {  	s0 =	rddreg [dreg:$0x0];
	s2 =	stileid.u32  }
0x6c: {  	s1 =	rddreg [dreg:$0x1];
	p0 =	sne.s32 s2, $0x0  }
0x6d: {  	s3 =	rddreg [dreg:$0x2];
	[bflag:$0x3] =	sbarrier.arrive $0xFFFF;
	s2 =	simm.s32 @!p0 $0x1C02  }
0x6e: {  	[timem:s3], [sflag:s2] =	dma.local @!p0 [hbm:s0], s1  }
0x6f: {  	s0 =	simm.s32 @!p0 $0x2  }
0x70: {  	_ =	swait.ge @!p0 [sflag:s0], s1  }
0x71: {  	s1 =	ssub.s32 @!p0 $0x0, s1;
	[sflag:s0] =	ssyncset.done @!p0 $0x0  }
0x72: {  	[sflag:s0] =	ssyncadd.s32 @!p0 s1  }
0x73: {  	[bflag:$0x3] =	sbarrier.arrive $0xFFFF  }
0x74: {  	_ =	shalt  }

</sc_bundles>
